<compile_context>
chip_gen: v7x
topology: tpu7x:2x2x1
jax: 0.10.2.dev20260603
libtpu: 0.0.44.dev20260713+nightly
codegen_flags: <defaults>
</compile_context>

<pallas_src>
import jax
import jax.numpy as jnp
from jax.experimental import pallas as pl
from jax.experimental.pallas import tpu as pltpu

_N = 10000
_BR = 400


def _mv_body(q_ref, u_ref, r_ref):
    q = q_ref[0, :, :].astype(jnp.float32)
    u = u_ref[0, :].astype(jnp.float32)
    r_ref[0, 0, :] = jnp.sum(q * u[None, :], axis=1)


def _impl(xin, W0, b0, W1, b1, interpret=False):
    n = _N
    nb = n // _BR

    q4 = xin.astype(jnp.bfloat16)
    q = jnp.reshape(q4, (nb, _BR, n))

    deg = jnp.full((n,), 5000.0, jnp.float32)
    dis = jnp.where(deg > 0, 1.0 / jnp.sqrt(jnp.maximum(deg, 1e-12)), 0.0)

    mv = pl.pallas_call(
        _mv_body,
        grid=(nb,),
        in_specs=[
            pl.BlockSpec((1, _BR, n), lambda i: (i, 0, 0)),
            pl.BlockSpec((1, n), lambda i: (0, 0)),
        ],
        out_specs=pl.BlockSpec((1, 1, _BR), lambda i: (i, 0, 0)),
        out_shape=jax.ShapeDtypeStruct((nb, 1, _BR), jnp.float32),
        interpret=interpret,
    )

    def Lt(v):
        u = (dis[:, None] * v).astype(jnp.bfloat16)
        r3 = mv(q, jnp.reshape(u, (1, n)))
        r = jnp.reshape(r3, (n, 1)).astype(jnp.float32)
        return -(dis[:, None] * r)

    def cheb_conv(h0, W, b):
        h1 = Lt(h0)
        h2 = 2.0 * Lt(h1) - h0
        return h0 @ W[0] + h1 @ W[1] + h2 @ W[2] + b

    h0 = jnp.ones((n, 1), jnp.float32)
    y = cheb_conv(h0, W0, b0)
    y = cheb_conv(y, W1, b1)
    y = jnp.mean(y[None], axis=0)
    y = jnp.mean(y, axis=-1)
    y = jax.nn.relu(y) + 0.001
    return jnp.reshape(y, (1, n))


def kernel(xin, W0, b0, W1, b1):
    return _impl(xin, W0, b0, W1, b1)

# --- scband reference (transcript-rebuilt; emitter-appended) ---
"""Pipeline reference for scband-x-nn-89678917141430 (READ-ONLY COPY).

The authoritative reference and input builder live on the scoring server;
editing this copy changes nothing except your own understanding.
"""

import jax, jax.numpy as jnp
import numpy as np

N = 10000


def setup_inputs(seed: int = 0) -> dict:
    key = jax.random.key(seed)
    k1, k2, k3 = jax.random.split(key, 3)
    xin = jax.random.uniform(k1, (1, N, N, 1), dtype=jnp.float32)
    W0 = jax.random.normal(k2, (3, 1, 1), dtype=jnp.float32) * 0.5
    b0 = jnp.zeros((1,), jnp.float32)
    W1 = jax.random.normal(k3, (3, 1, 1), dtype=jnp.float32) * 0.5
    b1 = jnp.zeros((1,), jnp.float32)
    return {"xin": xin, "W0": W0, "b0": b0, "W1": W1, "b1": b1}


def _forward(xin, W0, b0, W1, b1):
    # xin: (B, N, N, C) -> transpose + reshape exactly as the keras layer does
    x = jnp.transpose(xin, (0, 3, 1, 2))
    x = jnp.reshape(x, (x.shape[0] * x.shape[1], x.shape[2], x.shape[3]))
    A = x[0]  # dense (N, N) adjacency, as in xin[0] of the original
    n = A.shape[0]
    # chebyshev_filter: symmetric normalized Laplacian, rescaled with lmax = 2
    # L = I - D^-1/2 A D^-1/2 ; L_tilde = 2L/lmax - I = -D^-1/2 A D^-1/2
    deg = jnp.sum(A, axis=-1)
    dis = jnp.where(deg > 0, 1.0 / jnp.sqrt(jnp.maximum(deg, 1e-12)), 0.0)

    def Lt(v):  # apply rescaled Laplacian to (n, F) node features (matvec form)
        return -(dis[:, None] * (A @ (dis[:, None] * v)))

    def cheb_conv(h, W, b):  # h: (1, n, F_in); ChebConv with supports T0, T1, T2
        h0 = h[0]
        h1 = Lt(h0)
        h2 = 2.0 * Lt(h1) - h0
        out = h0 @ W[0] + h1 @ W[1] + h2 @ W[2] + b
        return out[None]

    node_feature = jnp.ones((1, n, 1), jnp.float32)
    y = cheb_conv(node_feature, W0, b0)
    y = cheb_conv(y, W1, b1)  # original calls gnn1 without supports; reuse same graph
    y = jnp.mean(y, axis=0)     # (n, 1)
    y = jnp.mean(y, axis=-1)    # (n,)  [original axis=2 is out of range; last axis intended]
    y = jax.nn.relu(y) + 0.001
    return jnp.reshape(y, (1, n))


def reference(xin, W0, b0, W1, b1):
    return _forward(xin, W0, b0, W1, b1)

if __name__ == "__main__":
    import jax
    _d = setup_inputs()
    print(jax.jit(kernel)(*tuple(_d.values())))

</pallas_src>

<mosaic_0001>
module attributes {stable_mosaic.version = 14 : i64} {
  func.func @_mv_body(%arg0: i32, %arg1: memref<1x400x10000xbf16, #tpu.memory_space<vmem>>, %arg2: memref<1x10000xbf16, #tpu.memory_space<vmem>>, %arg3: memref<1x1x400xf32, #tpu.memory_space<vmem>>) attributes {dimension_semantics = [#tpu.dimension_semantics<arbitrary>], iteration_bounds = array<i64: 25>, scalar_prefetch = 0 : i64, scratch_operands = 0 : i64, tpu.core_type = #tpu.core_type<tc>, window_params = [{transform_indices = @transform_0, window_bounds = array<i64: 1, 400, 10000>}, {pipeline_mode = #tpu.pipeline_mode<synchronous>, transform_indices = @transform_1, window_bounds = array<i64: 1, 10000>}, {transform_indices = @transform_2, window_bounds = array<i64: 1, 1, 400>}]} {
    %get3A = arith.constant 0 : index
    %get3A_0 = arith.constant 0 : index
    %get3A_1 = arith.constant 0 : index
    %get3A_2 = vector.load %arg1[%get3A, %get3A_0, %get3A_1] : memref<1x400x10000xbf16, #tpu.memory_space<vmem>>, vector<1x400x10000xbf16>
    %get3A_3 = vector.shape_cast %get3A_2 : vector<1x400x10000xbf16> to vector<400x10000xbf16>
    %convert_element_type3A = arith.extf %get3A_3 : vector<400x10000xbf16> to vector<400x10000xf32>
    %get3A_4 = arith.constant 0 : index
    %get3A_5 = arith.constant 0 : index
    %get3A_6 = vector.load %arg2[%get3A_4, %get3A_5] : memref<1x10000xbf16, #tpu.memory_space<vmem>>, vector<1x10000xbf16>
    %get3A_7 = vector.shape_cast %get3A_6 : vector<1x10000xbf16> to vector<10000xbf16>
    %convert_element_type3A_8 = arith.extf %get3A_7 : vector<10000xbf16> to vector<10000xf32>
    %broadcast_in_dim3A = vector.shape_cast %convert_element_type3A_8 : vector<10000xf32> to vector<1x10000xf32>
    %mul3A = vector.broadcast %broadcast_in_dim3A : vector<1x10000xf32> to vector<400x10000xf32>
    %mul3A_9 = arith.mulf %convert_element_type3A, %mul3A : vector<400x10000xf32>
    %reduce_sum3A = arith.constant dense<0.000000e+00> : vector<400xf32>
    %reduce_sum3A_10 = vector.multi_reduction <add>, %mul3A_9, %reduce_sum3A [1] : vector<400x10000xf32> to vector<400xf32>
    %swap3A = arith.constant 0 : index
    %swap3A_11 = arith.constant 0 : index
    %swap3A_12 = arith.constant 0 : index
    %swap3A_13 = vector.load %arg3[%swap3A, %swap3A_11, %swap3A_12] : memref<1x1x400xf32, #tpu.memory_space<vmem>>, vector<1x1x400xf32>
    %swap3A_14 = vector.shape_cast %swap3A_13 : vector<1x1x400xf32> to vector<400xf32>
    %swap3A_15 = vector.shape_cast %reduce_sum3A_10 : vector<400xf32> to vector<1x1x400xf32>
    tpu.vector_store %arg3[%swap3A, %swap3A_11, %swap3A_12], %swap3A_15 {strides = array<i32>} : memref<1x1x400xf32, #tpu.memory_space<vmem>>, vector<1x1x400xf32>,
    return
  }
  func.func @transform_0(%arg0: i32) -> (i32, i32, i32) {
    %c0_i32 = arith.constant 0 : i32
    %c0_i32_0 = arith.constant 0 : i32
    %c0_i32_1 = arith.constant 0 : i32
    return %arg0, %c0_i32, %c0_i32_0 : i32, i32, i32
  }
  func.func @transform_1(%arg0: i32) -> (i32, i32) {
    %c0_i32 = arith.constant 0 : i32
    %c0_i32_0 = arith.constant 0 : i32
    %c0_i32_1 = arith.constant 0 : i32
    return %c0_i32, %c0_i32_0 : i32, i32
  }
  func.func @transform_2(%arg0: i32) -> (i32, i32, i32) {
    %c0_i32 = arith.constant 0 : i32
    %c0_i32_0 = arith.constant 0 : i32
    %c0_i32_1 = arith.constant 0 : i32
    return %arg0, %c0_i32, %c0_i32_0 : i32, i32, i32
  }
}

</mosaic_0001>

<sc_bundles>
// kernel: sparse-core-data-format-call.cloned.1.call-start
scs
called_computation_lowered:
.L_overlay_start_0:
0x0: {  	s1 =	sld [smem:$0x3FD9]  }
0x1: {  	s2 =	sld [smem:$0x3FFE];
	_ =	sdelay $0x1  }
0x2: {  	s3 =	srdreg.scid  }
0x3: {  	s0 =	sand.u32 $0x1, s3  }
0x4: {  	s17 =	sshll.u32 s0, $0xA;
	s1 =	sadd.s32 s2, s1  }
0x5: {  	s1 =	sadd.s32 s1, s17  }
0x6: {  	[smem:$0x3FC3] =	sst s1  }
0x7: {  	_ = 	snop  }
0x8: {  	(tm) =	ssettm $0x1  }
0x9: {  	s18 =	sld [smem:$0x3FFB];
	_ =	sdelay $0x3  }
0xa: {  	_ =	strace s18  }
0xb: {  	s1 =	sld [smem:$0x3FFC];
	_ =	sdelay $0x3  }
0xc: {  	_ =	strace s1  }
0xd: {  	s1 =	sld [smem:$0x3FFD];
	_ =	sdelay $0x3  }
0xe: {  	_ =	strace s1  }
0xf: {  	_ =	strace $0x8FFFFFFF  }
0x10: {  	s19 =	sld [smem:$0x3FDB];
	_ =	sdelay $0x1  }
0x11: {  	s20 =	simm.s32 $_scs_section_size  }
0x12: {  	s4 =	simm.s32 $_size__tile_overlayer_lowered;
	s5 =	simm.s32 $_tile_overlayer_lowered  }
0x13: {  	s23 =	simm.s32 $0x1BFF;
	s22 =	sshll.u32 s5, $0x1;
	s1 =	sadd.s32 s20, s19  }
0x14: {  	s6 =	simm.s32 $0x0;
	s21 =	sshll.u32 s4, $0x1;
	s4 =	sadd.s32 s22, s1  }
0x15: {  	[timem:s6], [sflag:s23] =	dma.local [hbm:s4], s21  }
0x16: {  	_ =	swait.ge [sflag:s23], s21  }
0x17: {  	s2 =	ssub.s32 $0x0, s21;
	[sflag:s23] =	ssyncset.done $0x0  }
0x18: {  	[sflag:s23] =	ssyncadd.s32 s2;
	_ =	sdelay $0x1  }
0x19: {  	s24 =	simm.s32 $0x1B8B  }
0x1a: {  	_ =	swait.ge [sflag:s24], $0x1  }
0x1b: {  	[sflag:s24] =	ssyncset.done $0x0  }
0x1c: {  	s26 =	simm.s32 $0x1B8E;
	s25 =	sld [smem:$0x3FFE];
	[sflag:s24] =	ssyncadd.s32 $0xFFFFFFFF  }
0x1d: {  	s27 =	simm.s32 $execute0_lowered;
	[smem:$0x3FD2] =	sst s26  }
0x1e: {  	s4 =	sshll.u32 s27, $0x1;
	_ =	strace $0x80000046;
	[dreg:$0x1] =	wrdreg $0xFFFFFFFF  }
0x1f: {  	s28 =	simm.s32 $_size_execute0_lowered;
	s1 =	sadd.s32 s1, s4;
	[dreg:$0x0] =	wrdreg $0x0  }
0x20: {  	s4 =	sshll.u32 s28, $0x1;
	[dreg:$0x2] =	wrdreg s1  }
0x21: {  	[dreg:$0x3] =	wrdreg s4  }
0x22: {  	[dreg:$0x4] =	wrdreg $0xC0  }
0x23: {  	_ =	task [dreg:s6], $0x5FFFF  }
0x24: {  	[dreg:$0x1] =	wrdreg $0xFFFFFFFF  }
0x25: {  	[dreg:$0x0] =	wrdreg $0x60  }
0x26: {  	[dreg:$0x2] =	wrdreg s25  }
0x27: {  	[dreg:$0x3] =	wrdreg $0x9  }
0x28: {  	_ =	task.clear_ibuf [dreg:s6], $0x4FFFF;
	_ =	strace $0x90000046  }
0x29: {  	s29 =	simm.s32 $0x9;
	_ =	strace $0x80000048  }
0x2a: {  	_ =	swait.ge [sflag:s29], $0x1  }
0x2b: {  	[sflag:s29] =	ssyncadd.s32 $0xFFFFFFFF  }
0x2c: {  	_ =	strace $0x90000048  }
0x2d: {  	_ =	sfence  }
0x2e: {  	s30 =	sld [smem:$0x0];
	_ =	sdelay $0x2  }
0x2f: {  	s31 =	sshll.u32 s3, $0xD;
	s3 =	sshrl.u32 s3, $0x2  }
0x30: {  	s2 =	sand.u32 $0x4000, s31;
	s1 =	sadd.s32 s3, s30  }
0x31: {  	s0 =	sor.u32 s2, s0;
	s1 =	sshll.u32 s1, $0x11  }
0x32: {  	s0 =	sor.u32 s1, s0  }
0x33: {  	s0 =	sadd.s32 $0x8F2B, s0  }
0x34: {  	[sflag:s0] =	ssyncadd.remote.s32 $0x1  }
0x35: {  	_ =	sfence.sel $0xFFFF  }
0x36: {  	[dreg:$0x0] =	wrdreg $0xFFFFFFFF;
	(pc) =	sbr.abs _section_cstart, $3  }
0x37: {  	[dreg:$0x1] =	wrdreg $0xFFFFFFFF  }
0x38: {  	_ =	task.clear_ibuf [dreg:s6], $0x2FFFF;
	_ =	strace $0x9FFFFFFF  }
0x39: {  	(tm) =	ssettm $0x7FFFFFFF  }
tec
execute0_lowered:
.L_overlay_start_1:
0x0: {  	(tag) =	ssettag $0x1  }
0x1: {  	s0 =	srdreg.scid  }
0x2: {  	s1 =	sshll.u32 s0, $0x4  }
0x3: {  	s0 =	stileid.u32;
	s1 =	sand.u32 $0x10, s1  }
0x4: {  	s3 =	rddreg [dreg:$0x0];
	s1 =	sor.u32 s0, s1  }
0x5: {  	s5 =	simm.s32 $0x1;
	s7 =	simm.s32 $0x2;
	s2 =	sshll.u32 s1, $0x3  }
0x6: {  	s15 =	simm.s32 $0x0;
	s8 =	simm.s32 $0x3037C00;
	s4 =	ssub.s32 $0x2710, s2  }
0x7: {  	s9 =	simm.s32 $0x0;
	s16 =	simm.s32 $0x0;
	s31 =	sand.u32 $0xF8, s4  }
0x8: {  	s10 =	simm.s32 $0x0;
	s11 =	simm.s32 $0x0;
	p0 =	sne.s32 s31, $0x0  }
.Ltmp0:
0x9: {  	s6 =	sshrl.u32 s4, $0x8;
	s5 =	simm.s32 @!p0 $0x0;
	(pc) =	sbr.rel .LBB1_1-.Ltmp0, $4  }
0xa: {  	s12 =	simm.s32 $0x0;
	s1 =	rddreg [dreg:$0x1];
	s5 =	sadd.s32 s5, s6  }
0xb: {  	_ =	strace $0x80000047;
	s4 =	simm.s32 $0x1;
	s5 =	smul.u32 $0x4F, s5  }
0xc: {  	s14 =	simm.s32 $0x0;
	s13 =	smov.u32 s2;
	[sflag:s4] =	ssyncpa.u1 $0x0  }
0xd: {  	[sflag:s7] =	ssyncpa.u1 $0x0;
	s6 =	sadd.s32 $0xC0E000, s3;
	s7 =	sadd.s32 $0x1, s5  }
.LBB1_4:
0xe: {  	s20 =	sshrl.u32 s11, $0x3;
	s21 =	sshll.u32 s10, $0x3  }
0xf: {  	s22 =	sshll.u32 s11, $0x7;
	s26 =	sshll.u32 s10, $0x1;
	s28 =	sand.u32 $0x1, s11  }
0x10: {  	p0 =	sgt.s32 s11, $0x2708;
	s23 =	smov.u32 s11;
	s20 =	smul.u32 $0x13C00, s20  }
0x11: {  	s24 =	sshra.s32 s11, $0x1F;
	s21 =	sand.u32 $0xFFFFFC00, s21;
	s25 =	sand.u32 $0x300, s22  }
0x12: {  	s27 =	sand.u32 $0xFE, s26;
	s23 =	simm.s32 @!p0 $0x2708;
	s20 =	sadd.s32 s20, s21  }
0x13: {  	p0 =	sgt.s32 s10, $0x2700;
	s26 =	sshra.s32 s10, $0x1F;
	s20 =	sor.u32 s25, s20  }
0x14: {  	s24 =	sand.u32 s24, s11;
	s26 =	sand.u32 s26, s10;
	s20 =	sor.u32 s27, s20  }
0x15: {  	s23 =	ssub.s32 s23, s24;
	s21 =	sor.u32 s28, s20;
	s20 =	smulhi.u32 $0xCF6474A9, s20  }
0x16: {  	s31 =	sadd.s32 $0xFFFFD8F8, s23;
	s25 =	smov.u32 s10;
	s22 =	smulhi.u32 $0xCF6474A9, s21  }
0x17: {  	[tilespmem:s17+$0x30] =	vst v10;
	v8 =	vpack.i.b32.b16 v11, v8;
	s23 =	ssub.s32 $0x2710, s23;
	s25 =	simm.s32 @!p0 $0x2700;
	s20 =	sshrl.u32 s20, $0xD  }
0x18: {  	v51 =	vunpack.i.l.s16.s32 v5;
	v7 =	vpack.i.b32.b16 v9, v7;
	v52 =	vunpack.i.l.s16.s32 v6;
	[tilespmem:s17+$0xFFFFFE40] =	vst v8;
	s29 =	ssub.s32 s25, s26;
	s22 =	sshrl.u32 s22, $0xD;
	s30 =	smulhi.u32 $0x68DB9, s20  }
0x19: {  	v53 =	vunpack.i.u.s16.s32 v5;
	v54 =	vunpack.i.u.s16.s32 v6;
	[tilespmem:s17+$0x40] =	vst v7;
	v55 =	vpack.i.b32.b16 v52, v51;
	p1 =	sgt.s32 s31, $0x7;
	s27 =	sadd.s32 $0xFFFFD900, s29;
	s22 =	smul.u32 $0x2780, s22  }
0x1a: {  	v56 =	vunpack.i.l.s16.s32 v2;
	v57 =	vunpack.i.l.s16.s32 v3;
	v5 =	vpack.i.b32.b16 v54, v53;
	[tilespmem:s17+$0xFFFFFE50] =	vst v55;
	s24 =	ssub.s32 $0x2780, s29;
	p0 =	sgt.s32 s27, $0x7F;
	s25 =	smul.u32 $0x2710, s30  }
0x1b: {  	v58 =	vunpack.i.l.s16.s32 v4;
	v59 =	vpack.i.b32.b16 v57, v56;
	[tilespmem:s17+$0x50] =	vst v5;
	s23 =	simm.s32 @p1 $0x0;
	s24 =	simm.s32 @p0 $0x0  }
0x1c: {  	v60 =	vunpack.i.u.s16.s32 v4;
	v1 =	vpack.i.b32.b16 v1, v58;
	[tilespmem:s17+$0xFFFFFE60] =	vst v59;
	s27 =	smul.u32 s23, s24;
	s21 =	ssub.s32 s21, s22;
	s20 =	ssub.s32 s20, s25  }
0x1d: {  	v61 =	vunpack.i.u.s16.s32 v2;
	v62 =	vunpack.i.u.s16.s32 v3;
	v0 =	vpack.i.b32.b16 v0, v60;
	[tilespmem:s17+$0xFFFFFE00] =	vst v1;
	s29 =	sshrl.u32 s21, $0x4;
	s21 =	sshll.u32 s21, $0x11;
	s28 =	smul.u32 $0x278, s20  }
0x1e: {  	v63 =	vpack.i.b32.b16 v62, v61;
	[tilespmem:s19+$0x0] =	vst v0;
	s22 =	sshrl.u32 s27, $0x1;
	s20 =	sadd.s32 s6, s29;
	s21 =	sand.u32 $0x1C0000, s21  }
0x1f: {  	[tilespmem:s19+$0x60] =	vst v63;
	s30 =	sand.u32 $0x3FFFFFFF, s22;
	s31 =	sor.u32 $0x200, s21;
	s17 =	sadd.s32 s28, s20  }
0x20: {  	[hbm4b:s17+s31] =	stream.strided.scatter [tilespmem:s18], [sflag:$0x2], s30, s8, s31, $0x38;
	[tilespmem:$0x1000] =	vst v63  }
.LBB1_5:
0x21: {  	p0 =	slt.u32 s14, $0x2  }
0x22: {  	s18 =	smov.u32 s16;
	p1 =	sgt.s32 @!p0 s16, $0x2708;
	s17 =	sshra.s32 @!p0 s16, $0x1F  }
0x23: {  	p2 =	sgt.s32 @!p0 s15, $0x2700;
	s19 =	sshra.s32 @!p0 s15, $0x1F;
	p1 =	por !p1, p0  }
0x24: {  	s16 =	sand.u32 @!p0 s17, s16;
	p2 =	por !p2, p0;
	s17 =	smov.u32 s15  }
0x25: {  	s15 =	sand.u32 @!p0 s19, s15;
	s18 =	simm.s32 @p1 $0x2708;
	s17 =	simm.s32 @p2 $0x2700  }
0x26: {  	s16 =	ssub.s32 @!p0 s18, s16;
	s15 =	ssub.s32 @!p0 s17, s15  }
0x27: {  	s19 =	smov.u32 s13;
	s17 =	sadd.s32 @!p0 $0xFFFFD8F8, s16;
	s18 =	sadd.s32 @!p0 $0xFFFFD900, s15  }
0x28: {  	s16 =	ssub.s32 @!p0 $0x2710, s16;
	p1 =	sgt.s32 @!p0 s17, $0x7;
	p2 =	sgt.s32 @!p0 s18, $0x7F  }
0x29: {  	s15 =	ssub.s32 @!p0 $0x2780, s15;
	p1 =	por !p1, p0;
	p2 =	por !p2, p0  }
0x2a: {  	s17 =	sadd.s32 $0x80, s12;
	s16 =	simm.s32 @!p1 $0x0;
	s15 =	simm.s32 @!p2 $0x0  }
0x2b: {  	p1 =	sgt.s32 s17, $0x270F;
	s15 =	smul.u32 @!p0 s16, s15;
	s16 =	sadd.s32 $0x100, s13  }
0x2c: {  	s19 =	smov.u32 @p1 s16  }
0x2d: {  	s17 =	simm.s32 @p1 $0x0;
	p1 =	sgt.s32 s19, $0x270F  }
0x2e: {  	s9 =	sadd.s32 $0x800, s9;
	s19 =	smov.u32 @p1 s2;
	p1 =	sne.s32 s14, s7  }
.Ltmp1:
0x2f: {  	s18 =	simm.s32 @!p0 $0x2;
	s15 =	sshrl.u32 @!p0 s15, $0x1;
	(pc) =	sbr.rel @!p1 .LBB1_6-.Ltmp1, $4  }
0x30: {  	s16 =	smov.u32 s11;
	s11 =	smov.u32 s13;
	s15 =	sand.u32 @!p0 $0x3FFFFFFF, s15  }
0x31: {  	s14 =	sadd.s32 $0x1, s14;
	_ =	swait.ge @!p0 [sflag:s18], s15;
	s20 =	ssub.s32 @!p0 $0x0, s15  }
0x32: {  	s15 =	smov.u32 s10;
	s10 =	smov.u32 s12;
	[sflag:s18] =	ssyncset.done @!p0 $0x0  }
0x33: {  	s12 =	smov.u32 s17;
	s13 =	smov.u32 s19;
	[sflag:s18] =	ssyncadd.s32 @!p0 s20  }
.LBB1_1:
0x34: {  	p0 =	sge.u32 s14, s5  }
0x35: {  	s17 =	sshll.u32 @!p0 s12, $0x1  }
0x36: {  	s18 =	smulhi.u32 @!p0 $0xCF6474A9, s17;
	_ =	sdelay $0x1  }
0x37: {  	s21 =	smul.u32 @!p0 $0x4F0, s13;
	s18 =	sshrl.u32 @!p0 s18, $0xD  }
0x38: {  	s19 =	smul.u32 @!p0 $0x2780, s18  }
0x39: {  	s31 =	sadd.s32 $0xFFFFFFFF, s14;
	s20 =	sxor.u32 @!p0 $0xFFFFFFFF, s14;
	s18 =	sand.u32 @!p0 $0x1, s18  }
0x3a: {  	s21 =	sadd.s32 @!p0 s3, s21;
	p1 =	seq.s32 @!p0 s18, $0x1;
	s17 =	ssub.s32 @!p0 s17, s19  }
0x3b: {  	s18 =	simm.s32 @!p0 $0x278;
	p1 =	por !p1, p0;
	s19 =	sshrl.u32 @!p0 s17, $0x4  }
0x3c: {  	s18 =	simm.s32 @p1 $0x0;
	s17 =	sshll.u32 @!p0 s17, $0x11;
	s19 =	sadd.s32 @!p0 s19, s21  }
0x3d: {  	s17 =	sand.u32 @!p0 $0x1C0000, s17;
	s18 =	sadd.s32 @!p0 s18, s19;
	s19 =	sshll.u32 @!p0 s20, $0xA  }
0x3e: {  	s17 =	sor.u32 @!p0 $0x80, s17;
	s20 =	simm.s32 @!p0 $0x2780;
	s19 =	sand.u32 @!p0 $0x400, s19  }
0x3f: {  	[tilespmem:s19], [sflag:$0x1] =	stream.strided.gather @!p0 [hbm4b:s18+s17], $0x400, s20, s17, $0x38;
	[tilespmem:$0x1000] =	vst v63  }
0x40: {  	p0 =	sge.u32 s31, s5  }
.Ltmp2:
0x41: {  	_ = 	snop;
	(pc) =	sbr.rel @p0 .LBB1_5-.Ltmp2, $1  }
0x42: {  	_ =	sdelay $0x3  }
0x43: {  	s17 =	sshrl.u32 s9, $0x1;
	_ =	swait.ge [sflag:s4], $0x400  }
0x44: {  	s17 =	sand.u32 $0x400, s17;
	[sflag:s4] =	ssyncset.done $0x0  }
0x45: {  	s19 =	sor.u32 $0x80, s17;
	[sflag:s4] =	ssyncadd.s32 $0xFFFFFC00  }
0x46: {  	v0 =	vld [tilespmem:s19+$0xFFFFFFF0]  }
0x47: {  	v1 =	vld [tilespmem:s19+$0x70]  }
0x48: {  	v2 =	vld [tilespmem:s19+$0x0]  }
0x49: {  	v3 =	vld [tilespmem:s19+$0xFFFFFF90]  }
0x4a: {  	v4 =	vld [tilespmem:s19+$0x10]  }
0x4b: {  	v5 =	vld [tilespmem:s19+$0xFFFFFFA0]  }
0x4c: {  	v7 =	vld [tilespmem:s19+$0x20]  }
0x4d: {  	v6 =	vunpack.i.l.s16.s32 v0;
	v8 =	vunpack.i.u.s16.s32 v0;
	v9 =	vunpack.i.u.s16.s32 v1  }
0x4e: {  	v10 =	vunpack.i.l.s16.s32 v1;
	v0 =	vunpack.i.u.s16.s32 v2;
	v1 =	vunpack.i.l.s16.s32 v2;
	v2 =	vld [tilespmem:s19+$0xFFFFFFB0]  }
0x4f: {  	s17 =	sor.u32 $0xA00, s17;
	v11 =	vld [tilespmem:s19+$0x30];
	v8 =	vpack.i.b32.b16 v9, v8;
	v9 =	vunpack.i.u.s16.s32 v3;
	v3 =	vunpack.i.l.s16.s32 v3  }
0x50: {  	v12 =	vld [tilespmem:s19+$0xFFFFFFC0];
	v6 =	vpack.i.b32.b16 v10, v6;
	[tilespmem:s17+$0x70] =	vst v8;
	v8 =	vunpack.i.u.s16.s32 v4;
	v4 =	vunpack.i.l.s16.s32 v4  }
0x51: {  	v13 =	vld [tilespmem:s19+$0x40];
	v10 =	vunpack.i.l.s16.s32 v5;
	[tilespmem:s17+$0xFFFFFE70] =	vst v6;
	v6 =	vunpack.i.l.s16.s32 v7;
	v3 =	vpack.i.b32.b16 v4, v3  }
0x52: {  	v4 =	vunpack.i.u.s16.s32 v5;
	v5 =	vld [tilespmem:s19+$0xFFFFFFD0];
	[tilespmem:s17+$0xFFFFFE10] =	vst v3;
	v3 =	vpack.i.b32.b16 v8, v9;
	v8 =	vunpack.i.u.s16.s32 v7  }
0x53: {  	[tilespmem:s17+$0x10] =	vst v3;
	v3 =	vpack.i.b32.b16 v6, v10;
	v9 =	vunpack.i.u.s16.s32 v2;
	v7 =	vunpack.i.l.s16.s32 v2;
	v6 =	vld [tilespmem:s19+$0x50]  }
0x54: {  	s18 =	sshll.u32 s14, $0xA;
	v10 =	vunpack.i.u.s16.s32 v11;
	v2 =	vld [tilespmem:s19+$0xFFFFFFE0];
	[tilespmem:s17+$0xFFFFFE20] =	vst v3;
	v3 =	vpack.i.b32.b16 v8, v4;
	v4 =	vunpack.i.l.s16.s32 v11  }
0x55: {  	s20 =	simm.s32 $0x0;
	s18 =	sand.u32 $0x400, s18;
	v8 =	vunpack.i.l.s16.s32 v12;
	v10 =	vpack.i.b32.b16 v10, v9;
	[tilespmem:s17+$0x20] =	vst v3;
	v11 =	vpack.i.b32.b16 v4, v7;
	v3 =	vld [tilespmem:s19+$0x60]  }
0x56: {  	s18 =	sor.u32 $0x800, s18;
	s21 =	sadd.s32 $0x100, s19;
	v9 =	vunpack.i.u.s16.s32 v13;
	v7 =	vunpack.i.u.s16.s32 v12;
	v4 =	vld [tilespmem:s19+$0xFFFFFF80];
	s19 =	smov.u32 s17;
	[tilespmem:s17+$0xFFFFFE30] =	vst v11;
	v11 =	vunpack.i.l.s16.s32 v13  }
.LBB1_3:
0x57: {  	v12 =	vld [tilespmem:s21+$0xFFFFFFF0];
	[tilespmem:s17+$0x30] =	vst v10;
	v8 =	vpack.i.b32.b16 v11, v8;
	v10 =	vunpack.i.u.s16.s32 v5;
	v5 =	vunpack.i.l.s16.s32 v5  }
0x58: {  	s20 =	sadd.s32 $0x2, s20;
	v7 =	vpack.i.b32.b16 v9, v7;
	v11 =	vld [tilespmem:s21+$0x70];
	[tilespmem:s17+$0xFFFFFE40] =	vst v8;
	v8 =	vunpack.i.u.s16.s32 v6;
	v6 =	vunpack.i.l.s16.s32 v6  }
0x59: {  	p0 =	slt.u32 s20, $0x6;
	v9 =	vld [tilespmem:s21+$0x0];
	[tilespmem:s17+$0x40] =	vst v7;
	v5 =	vpack.i.b32.b16 v6, v5;
	v6 =	vunpack.i.u.s16.s32 v2;
	v2 =	vunpack.i.l.s16.s32 v2  }
0x5a: {  	v7 =	vld [tilespmem:s21+$0xFFFFFF90];
	[tilespmem:s17+$0xFFFFFE50] =	vst v5;
	v5 =	vpack.i.b32.b16 v8, v10;
	v8 =	vunpack.i.u.s16.s32 v3;
	v3 =	vunpack.i.l.s16.s32 v3  }
0x5b: {  	v13 =	vunpack.i.u.s16.s32 v4;
	v4 =	vunpack.i.l.s16.s32 v4;
	v10 =	vld [tilespmem:s21+$0x10];
	[tilespmem:s17+$0x50] =	vst v5;
	v2 =	vpack.i.b32.b16 v3, v2  }
0x5c: {  	v1 =	vpack.i.b32.b16 v1, v4;
	v4 =	vpack.i.b32.b16 v0, v13;
	v3 =	vld [tilespmem:s21+$0xFFFFFFA0];
	v5 =	vunpack.i.l.s16.s32 v12;
	[tilespmem:s17+$0xFFFFFE60] =	vst v2  }
0x5d: {  	v12 =	vunpack.i.u.s16.s32 v12;
	v2 =	vld [tilespmem:s21+$0x20];
	v13 =	vunpack.i.u.s16.s32 v11;
	v11 =	vunpack.i.l.s16.s32 v11;
	[tilespmem:s17+$0xFFFFFE00] =	vst v1  }
0x5e: {  	s17 =	sadd.s32 $0x80, s17;
	v0 =	vunpack.i.u.s16.s32 v9;
	v1 =	vunpack.i.l.s16.s32 v9;
	v9 =	vld [tilespmem:s21+$0xFFFFFFB0];
	v12 =	vpack.i.b32.b16 v13, v12;
	[tilespmem:s19+$0x0] =	vst v4  }
0x5f: {  	v6 =	vpack.i.b32.b16 v8, v6;
	v4 =	vunpack.i.u.s16.s32 v7;
	v7 =	vunpack.i.l.s16.s32 v7;
	v13 =	vld [tilespmem:s21+$0x30];
	[tilespmem:s17+$0x70] =	vst v12  }
0x60: {  	v5 =	vpack.i.b32.b16 v11, v5;
	v8 =	vunpack.i.u.s16.s32 v10;
	v10 =	vunpack.i.l.s16.s32 v10;
	v12 =	vld [tilespmem:s21+$0xFFFFFFC0];
	[tilespmem:s19+$0x60] =	vst v6;
	s19 =	smov.u32 s17  }
0x61: {  	v6 =	vpack.i.b32.b16 v10, v7;
	v7 =	vunpack.i.u.s16.s32 v3;
	v3 =	vunpack.i.l.s16.s32 v3;
	v11 =	vld [tilespmem:s21+$0x40];
	[tilespmem:s17+$0xFFFFFE70] =	vst v5  }
.Ltmp3:
0x62: {  	v4 =	vpack.i.b32.b16 v8, v4;
	[tilespmem:s17+$0xFFFFFE10] =	vst v6;
	v8 =	vunpack.i.u.s16.s32 v2;
	v2 =	vunpack.i.l.s16.s32 v2;
	v5 =	vld [tilespmem:s21+$0xFFFFFFD0];
	(pc) =	sbr.rel @p0 .LBB1_3-.Ltmp3, $4  }
0x63: {  	[tilespmem:s17+$0x10] =	vst v4;
	v2 =	vpack.i.b32.b16 v2, v3;
	v10 =	vunpack.i.u.s16.s32 v9;
	v3 =	vunpack.i.l.s16.s32 v9;
	v6 =	vld [tilespmem:s21+$0x50]  }
0x64: {  	v4 =	vpack.i.b32.b16 v8, v7;
	[tilespmem:s17+$0xFFFFFE20] =	vst v2;
	v9 =	vunpack.i.u.s16.s32 v13;
	v7 =	vunpack.i.l.s16.s32 v13;
	v2 =	vld [tilespmem:s21+$0xFFFFFFE0]  }
0x65: {  	[tilespmem:s17+$0x20] =	vst v4;
	v13 =	vpack.i.b32.b16 v7, v3;
	v7 =	vunpack.i.u.s16.s32 v12;
	v8 =	vunpack.i.l.s16.s32 v12;
	v3 =	vld [tilespmem:s21+$0x60]  }
0x66: {  	v10 =	vpack.i.b32.b16 v9, v10;
	v4 =	vld [tilespmem:s21+$0xFFFFFF80];
	[tilespmem:s17+$0xFFFFFE30] =	vst v13;
	v9 =	vunpack.i.u.s16.s32 v11;
	v11 =	vunpack.i.l.s16.s32 v11;
	s21 =	sadd.s32 $0x100, s21  }
.Ltmp4:
0x67: {  	_ = 	snop;
	(pc) =	sbr.rel .LBB1_4-.Ltmp4, $1  }
0x68: {  	_ =	sdelay $0x3  }
.LBB1_6:
0x69: {  	_ =	sfence.sel $0x180000  }
0x6a: {  	s2 =	simm.s32 $0x1;
	[bflag:$0x0] =	sbarrier.arrive $0xFFFF  }
0x6b: {  	s31 =	simm.s32 $0x2;
	[sflag:s2] =	ssyncpa.u1 $0x1  }
0x6c: {  	[sflag:s31] =	ssyncpa.u1 $0x1  }
0x6d: {  	p0 =	sne.s32 s0, $0x0;
	_ =	strace $0x90000047  }
0x6e: {  	s0 =	sadd.s32 @!p0 $0x100000, s1;
	[bflag:$0x2] =	sbarrier.arrive $0xFFFF  }
0x6f: {  	[sflag:s0] =	ssyncadd.tile.s32 @!p0 $0x1;
	_ =	shalt  }
.Lfunc_end1:
_tile_overlayer_lowered:
.L_overlay_start_2:
0x70: {  	(tag) =	ssettag $0x2  }
0x71: {  	s0 =	rddreg [dreg:$0x0];
	s2 =	stileid.u32  }
0x72: {  	s1 =	rddreg [dreg:$0x1];
	p0 =	sne.s32 s2, $0x0  }
0x73: {  	s3 =	rddreg [dreg:$0x2];
	[bflag:$0x3] =	sbarrier.arrive $0xFFFF;
	s2 =	simm.s32 @!p0 $0x1C01  }
0x74: {  	[timem:s3], [sflag:s2] =	dma.local @!p0 [hbm:s0], s1  }
0x75: {  	s0 =	simm.s32 @!p0 $0x1  }
0x76: {  	_ =	swait.ge @!p0 [sflag:s0], s1  }
0x77: {  	s1 =	ssub.s32 @!p0 $0x0, s1;
	[sflag:s0] =	ssyncset.done @!p0 $0x0  }
0x78: {  	[sflag:s0] =	ssyncadd.s32 @!p0 s1  }
0x79: {  	[bflag:$0x3] =	sbarrier.arrive $0xFFFF  }
0x7a: {  	_ =	shalt  }

</sc_bundles>
